<compile_context>
chip_gen: v7x
topology: tpu7x:2x2x1
jax: 0.10.2.dev20260603
libtpu: 0.0.44.dev20260713+nightly
codegen_flags: <defaults>
</compile_context>

<pallas_src>
import dataclasses
import functools

import jax
import jax.numpy as jnp
from jax import lax
from jax.experimental import pallas as pl
from jax.experimental.pallas import tpu as pltpu
from jax.experimental.pallas import tpu_sc as plsc

_EPS = 1.1920928955078125e-07

_NC, _NS = 2, 16
_NW = _NC * _NS
_CW = 1024
_ZB = 8192


def _proj_body(c_ref, wl_ref, wm_ref, sl_ref, smp_ref):
    y = jnp.maximum(c_ref[...], 0.0)
    sl_ref[...] = jnp.dot(y, wl_ref[...], preferred_element_type=jnp.float32)
    xb = y.shape[0] // 8
    for j in range(8):
        smp_ref[:, j * 16:(j + 1) * 16] = jnp.dot(
            y[j * xb:(j + 1) * xb], wm_ref[...],
            preferred_element_type=jnp.float32)


def _zp_body(z_ref, g_ref, w_ref, o_ref):
    x = z_ref[...]
    ms = jnp.mean(x * x, axis=1, keepdims=True)
    y = x * lax.rsqrt(ms + _EPS) * g_ref[...]
    xb = y.shape[0] // 8
    for j in range(8):
        o_ref[:, j * 16:(j + 1) * 16] = jnp.dot(
            y[j * xb:(j + 1) * xb], w_ref[...],
            preferred_element_type=jnp.float32)


def _mlp_body(smg_ref, zpg_ref, sl_ref, e_ref, b1_ref, b2_ref, b3_ref, o_ref):
    sl = sl_ref[...]
    sl8 = jnp.concatenate([sl] * 8, axis=1)
    slt = jnp.dot(e_ref[...], sl8,
                  preferred_element_type=jnp.float32)
    p = smg_ref[...] + zpg_ref[...] + slt
    h = jnp.dot(jnp.maximum(p, 0.0), b1_ref[...], preferred_element_type=jnp.float32)
    h = jnp.dot(jnp.maximum(h, 0.0), b2_ref[...], preferred_element_type=jnp.float32)
    h = jnp.dot(jnp.maximum(h, 0.0), b3_ref[...], preferred_element_type=jnp.float32)
    r = p + h
    o_ref[...] = r.reshape(r.shape[0] // 4, 512)


def _sc_params():
    mesh = plsc.VectorSubcoreMesh(core_axis_name="c", subcore_axis_name="s",
                                  num_cores=_NC, num_subcores=_NS)
    cp = pltpu.CompilerParams()
    if "needs_layout_passes" in pltpu.CompilerParams.__dataclass_fields__:
        cp = dataclasses.replace(cp, needs_layout_passes=False)
    if "use_tc_tiling_on_sc" in pltpu.CompilerParams.__dataclass_fields__:
        cp = dataclasses.replace(cp, use_tc_tiling_on_sc=False)
    return mesh, cp


def _sc_gather(ind, tok, smp_lin, zpp_lin):
    n = ind.shape[0]
    l_tot = tok.shape[0]
    i_tot = 512
    ca = 16
    per_w = n // _NW
    nch = per_w // _CW
    mesh, cp = _sc_params()

    @functools.partial(
        pl.kernel,
        compiler_params=cp,
        out_type=(jax.ShapeDtypeStruct((n, ca), jnp.float32),
                  jax.ShapeDtypeStruct((n, ca), jnp.float32)),
        mesh=mesh,
        scratch_types=[
            pltpu.VMEM((l_tot,), jnp.int32),
            pltpu.VMEM((_CW,), jnp.int32),
            pltpu.VMEM((_CW,), jnp.int32),
            pltpu.VMEM((_CW, ca), jnp.float32),
            pltpu.VMEM((_CW, ca), jnp.float32),
            pltpu.SemaphoreType.DMA,
            pltpu.SemaphoreType.DMA,
        ],
    )
    def sck(ind_hbm, tok_hbm, sm_t, zp_t, osm_t, ozp_t,
            tok_v, idx_v, flat_v, a_v, b_v, sem_a, sem_b):
        wid = lax.axis_index("s") * _NC + lax.axis_index("c")
        pltpu.sync_copy(tok_hbm, tok_v)

        @pl.loop(0, nch)
        def _chunk(ci):
            base = wid * per_w + ci * _CW
            pltpu.sync_copy(ind_hbm.at[pl.ds(base, _CW)], idx_v)

            @pl.loop(0, _CW, step=16)
            def _vec(i):
                jv = idx_v[pl.ds(i, 16)]
                jv = jnp.minimum(jnp.maximum(jv, 0), l_tot - 1)
                tv = plsc.load_gather(tok_v, [jv])
                pos = base + i + lax.iota(jnp.int32, 16)
                lv = lax.shift_right_logical(pos, 5)
                qv = plsc.load_gather(tok_v, [lv])
                idx_v[pl.ds(i, 16)] = ((jv & (l_tot // 8 - 1)) << 3) | (
                    lax.shift_right_logical(jv, 10))
                fv = qv * i_tot + tv
                flat_v[pl.ds(i, 16)] = ((fv & ~(_ZB - 1))
                                        | ((fv & (_ZB // 8 - 1)) << 3)
                                        | (lax.shift_right_logical(fv, 10) & 7))

            cp_a = pltpu.async_copy(sm_t.at[idx_v], a_v, sem_a)
            cp_b = pltpu.async_copy(zp_t.at[flat_v], b_v, sem_b)
            cp_a.wait()
            cp_b.wait()
            pltpu.sync_copy(a_v, osm_t.at[pl.ds(base, _CW)])
            pltpu.sync_copy(b_v, ozp_t.at[pl.ds(base, _CW)])

    return sck(ind, tok, smp_lin, zpp_lin)


def kernel(f, indices, C_L, Z_init_II, tok_idx, W_l, W_m, rms_w, W_z, W1, W2, W3):
    d, l, k = indices.shape
    i_tot = Z_init_II.shape[0]
    ct = C_L.shape[-1]
    ca = W_l.shape[0]
    n = d * l * k
    pk = 128 // ca

    c2 = C_L.reshape(l, ct)
    zf = Z_init_II.reshape(i_tot * i_tot, ct)
    ind = indices.reshape(n)

    sl, smp = pl.pallas_call(
        _proj_body,
        out_shape=(jax.ShapeDtypeStruct((l, ca), jnp.float32),
                   jax.ShapeDtypeStruct((l // pk, 128), jnp.float32)),
    )(c2, W_l.T, W_m.T)

    zn = i_tot * i_tot
    zpp = pl.pallas_call(
        _zp_body,
        grid=(zn // _ZB,),
        in_specs=[
            pl.BlockSpec((_ZB, ct), lambda i: (i, 0)),
            pl.BlockSpec((1, ct), lambda i: (0, 0)),
            pl.BlockSpec((ct, ca), lambda i: (0, 0)),
        ],
        out_specs=pl.BlockSpec((_ZB // pk, 128), lambda i: (i, 0)),
        out_shape=jax.ShapeDtypeStruct((zn // pk, 128), jnp.float32),
    )(zf, rms_w.reshape(1, ct), W_z.T)

    smg, zpg = _sc_gather(ind, tok_idx,
                          smp.reshape(l, ca),
                          zpp.reshape(zn, ca))
    smg = smg.reshape(n // pk, 128)
    zpg = zpg.reshape(n // pk, 128)

    eyep = jnp.eye(pk, dtype=jnp.float32)
    b1 = jnp.kron(eyep, W1.T)
    b2 = jnp.kron(eyep, W2.T)
    b3 = jnp.kron(eyep, W3.T)

    prows = 2048
    wide = k * ca
    ex = jnp.kron(jnp.eye(prows // 4, dtype=jnp.float32),
                  jnp.ones((4, 1), jnp.float32))
    out = pl.pallas_call(
        _mlp_body,
        grid=(n // pk // prows,),
        in_specs=[
            pl.BlockSpec((prows, 128), lambda i: (i, 0)),
            pl.BlockSpec((prows, 128), lambda i: (i, 0)),
            pl.BlockSpec((prows // 4, ca), lambda i: (i, 0)),
            pl.BlockSpec((prows, prows // 4), lambda i: (0, 0)),
            pl.BlockSpec((128, 128), lambda i: (0, 0)),
            pl.BlockSpec((128, 128), lambda i: (0, 0)),
            pl.BlockSpec((128, 128), lambda i: (0, 0)),
        ],
        out_specs=pl.BlockSpec((prows // 4, wide), lambda i: (i, 0)),
        out_shape=jax.ShapeDtypeStruct((l, wide), jnp.float32),
    )(smg, zpg, sl, ex, b1, b2, b3)

    return out.reshape(d, l, k, ca)

# --- scband reference (transcript-rebuilt; emitter-appended) ---
"""Pipeline reference for scband-chunked-pairwise-embedder-27848567947693 (READ-ONLY COPY).

The authoritative reference and input builder live on the scoring server;
editing this copy changes nothing except your own understanding.
"""

import jax, jax.numpy as jnp
import numpy as np

D, L, K, I = 1, 8192, 32, 512
C_TOKEN = 128
C_ATOMPAIR = 16
EPS = 1.1920928955078125e-07  # torch RMSNorm default eps = finfo(float32).eps


def setup_inputs(seed: int = 0) -> dict:
    key = jax.random.key(seed)
    ks = jax.random.split(key, 10)
    indices = jax.random.randint(ks[0], (D, L, K), 0, L, dtype=jnp.int32)
    tok_idx = jnp.sort(jax.random.randint(ks[1], (L,), 0, I, dtype=jnp.int32))
    C_L = jax.random.normal(ks[2], (D, L, C_TOKEN), dtype=jnp.float32)
    Z_init_II = jax.random.normal(ks[3], (I, I, C_TOKEN), dtype=jnp.float32)
    s_tok = 1.0 / np.sqrt(C_TOKEN)
    s_ap = 1.0 / np.sqrt(C_ATOMPAIR)
    W_l = jax.random.normal(ks[4], (C_ATOMPAIR, C_TOKEN), dtype=jnp.float32) * s_tok
    W_m = jax.random.normal(ks[5], (C_ATOMPAIR, C_TOKEN), dtype=jnp.float32) * s_tok
    rms_w = jnp.ones((C_TOKEN,), dtype=jnp.float32)
    W_z = jax.random.normal(ks[6], (C_ATOMPAIR, C_TOKEN), dtype=jnp.float32) * s_tok
    W1 = jax.random.normal(ks[7], (C_ATOMPAIR, C_ATOMPAIR), dtype=jnp.float32) * s_ap
    W2 = jax.random.normal(ks[8], (C_ATOMPAIR, C_ATOMPAIR), dtype=jnp.float32) * s_ap
    W3 = jax.random.normal(ks[9], (C_ATOMPAIR, C_ATOMPAIR), dtype=jnp.float32) * s_ap
    return {"f": 0, "indices": indices, "C_L": C_L, "Z_init_II": Z_init_II,
            "tok_idx": tok_idx, "W_l": W_l, "W_m": W_m, "rms_w": rms_w,
            "W_z": W_z, "W1": W1, "W2": W2, "W3": W3}


def reference(f, indices, C_L, Z_init_II, tok_idx, W_l, W_m, rms_w, W_z, W1, W2, W3):
    # f is an unused feature dict in the original (motif/ref embedders are None)
    Dn, Ln, Kn = indices.shape
    L_max = C_L.shape[1]
    valid = jnp.clip(indices, 0, L_max - 1)
    batch = jnp.arange(Dn)[:, None, None]
    # gather key atom features: [D, L, k, c_token]
    C_keys = C_L[batch, valid, :]
    # process_single_l / process_single_m: ReLU -> linearNoBias(128 -> c_atompair)
    sl = jax.nn.relu(C_L) @ W_l.T            # [D, L, c_ap]
    sm = jax.nn.relu(C_keys) @ W_m.T         # [D, L, k, c_ap]
    P = sl[:, :, None, :] + sm               # broadcast queries over k
    # token pair features: RMSNorm(128) -> linearNoBias(128 -> c_atompair)
    I_z, I_z2 = Z_init_II.shape[0], Z_init_II.shape[1]
    ms = jnp.mean(Z_init_II * Z_init_II, axis=-1, keepdims=True)
    Zn = Z_init_II / jnp.sqrt(ms + EPS) * rms_w
    Zp = Zn @ W_z.T                          # [I, I, c_ap]
    tok_keys = tok_idx[valid]                # [D, L, k]
    tq = jnp.clip(jnp.broadcast_to(tok_idx[None, :, None], tok_keys.shape), 0, I_z - 1)
    tk = jnp.clip(tok_keys, 0, I_z2 - 1)
    P = P + Zp[tq, tk]                       # [D, L, k, c_ap]
    # pair_mlp: 3x (ReLU -> linearNoBias) with residual add
    h = jax.nn.relu(P) @ W1.T
    h = jax.nn.relu(h) @ W2.T
    h = jax.nn.relu(h) @ W3.T
    return P + h

if __name__ == "__main__":
    import jax
    _d = setup_inputs()
    print(jax.jit(kernel)(*tuple(_d.values())))

</pallas_src>

<mosaic_0001>
#map = affine_map<(d0, d1) -> (0)>
#map1 = affine_map<(d0, d1) -> (0, 0)>
module attributes {stable_mosaic.version = 14 : i64} {
  func.func @sck(%arg0: i32, %arg1: i32, %arg2: memref<262144xi32, #tpu.memory_space<hbm>>, %arg3: memref<8192xi32, #tpu.memory_space<hbm>>, %arg4: memref<8192x16xf32, #tpu.memory_space<hbm>>, %arg5: memref<262144x16xf32, #tpu.memory_space<hbm>>, %arg6: memref<262144x16xf32, #tpu.memory_space<hbm>>, %arg7: memref<262144x16xf32, #tpu.memory_space<hbm>>, %arg8: memref<8192xi32, #tpu.memory_space<vmem>>, %arg9: memref<1024xi32, #tpu.memory_space<vmem>>, %arg10: memref<1024xi32, #tpu.memory_space<vmem>>, %arg11: memref<1024x16xf32, #tpu.memory_space<vmem>>, %arg12: memref<1024x16xf32, #tpu.memory_space<vmem>>, %arg13: memref<!tpu.dma_semaphore, #tpu.memory_space<semaphore_mem>>, %arg14: memref<!tpu.dma_semaphore, #tpu.memory_space<semaphore_mem>>) attributes {dimension_semantics = [#tpu.dimension_semantics<core_parallel>, #tpu.dimension_semantics<subcore_parallel>], iteration_bounds = array<i64: 2, 16>, scalar_prefetch = 0 : i64, scratch_operands = 7 : i64, tpu.core_type = #tpu.core_type<sc_vector_subcore>, window_params = [{transform_indices = #map}, {transform_indices = #map}, {transform_indices = #map1}, {transform_indices = #map1}, {transform_indices = #map1}, {transform_indices = #map1}]} {
    %mul3A = arith.constant 2 : i32
    %mul3A_0 = arith.muli %arg1, %mul3A : i32
    %add3A = arith.addi %mul3A_0, %arg0 : i32
    "tpu.region"() ({
      %run_scoped3A = tpu.sem_alloc : memref<!tpu.dma_semaphore, #tpu.memory_space<semaphore_mem>>
      tpu.enqueue_dma source(%arg3 : memref<8192xi32, #tpu.memory_space<hbm>>) target(%arg8 : memref<8192xi32, #tpu.memory_space<vmem>>) target_semaphore(%run_scoped3A : memref<!tpu.dma_semaphore, #tpu.memory_space<semaphore_mem>>)
      tpu.wait_dma2 semaphore(%run_scoped3A : memref<!tpu.dma_semaphore, #tpu.memory_space<semaphore_mem>>) src(%arg3 : memref<8192xi32, #tpu.memory_space<hbm>>) dst(%arg8 : memref<8192xi32, #tpu.memory_space<vmem>>)
      tpu.yield
    }) : () -> ()
    %scan3A = arith.constant 0 : i32
    %scan3A_1 = arith.constant 8 : i32
    %scan3A_2 = arith.addi %scan3A, %scan3A_1 : i32
    %scan3A_3 = arith.constant 1 : i32
    scf.for %scan3A_5 = %scan3A to %scan3A_2 step %scan3A_3  : i32 {
      %mul3A_6 = arith.constant 1 : i32
      %mul3A_7 = arith.muli %scan3A_5, %mul3A_6 : i32
      %add3A_8 = arith.constant 0 : i32
      %add3A_9 = arith.addi %add3A_8, %mul3A_7 : i32
      %mul3A_10 = arith.constant 8192 : i32
      %mul3A_11 = arith.muli %add3A, %mul3A_10 : i32
      %mul3A_12 = arith.constant 1024 : i32
      %mul3A_13 = arith.muli %add3A_9, %mul3A_12 : i32
      %add3A_14 = arith.addi %mul3A_11, %mul3A_13 : i32
      "tpu.region"() ({
        %run_scoped3A = tpu.sem_alloc : memref<!tpu.dma_semaphore, #tpu.memory_space<semaphore_mem>>
        %dma_start3A_30 = tpu.memref_slice %arg2[%add3A_14] : memref<262144xi32, #tpu.memory_space<hbm>> -> memref<1024xi32, #tpu.memory_space<hbm>>
        %dma_start3A_31 = tpu.memref_slice %arg2[%add3A_14] : memref<262144xi32, #tpu.memory_space<hbm>> -> memref<1024xi32, #tpu.memory_space<hbm>>
        tpu.enqueue_dma source(%dma_start3A_31 : memref<1024xi32, #tpu.memory_space<hbm>>) target(%arg9 : memref<1024xi32, #tpu.memory_space<vmem>>) target_semaphore(%run_scoped3A : memref<!tpu.dma_semaphore, #tpu.memory_space<semaphore_mem>>)
        %dma_wait3A_32 = tpu.memref_slice %arg2[%add3A_14] : memref<262144xi32, #tpu.memory_space<hbm>> -> memref<1024xi32, #tpu.memory_space<hbm>>
        %dma_wait3A_33 = tpu.memref_slice %arg2[%add3A_14] : memref<262144xi32, #tpu.memory_space<hbm>> -> memref<1024xi32, #tpu.memory_space<hbm>>
        tpu.wait_dma2 semaphore(%run_scoped3A : memref<!tpu.dma_semaphore, #tpu.memory_space<semaphore_mem>>) src(%dma_wait3A_33 : memref<1024xi32, #tpu.memory_space<hbm>>) dst(%arg9 : memref<1024xi32, #tpu.memory_space<vmem>>)
        tpu.yield
      }) : () -> ()
      %scan3A_15 = arith.constant 0 : i32
      %scan3A_16 = arith.constant 64 : i32
      %scan3A_17 = arith.addi %scan3A_15, %scan3A_16 : i32
      %scan3A_18 = arith.constant 1 : i32
      scf.for %scan3A_30 = %scan3A_15 to %scan3A_17 step %scan3A_18  : i32 {
        %mul3A_31 = arith.constant 16 : i32
        %mul3A_32 = arith.muli %scan3A_30, %mul3A_31 : i32
        %add3A_33 = arith.constant 0 : i32
        %add3A_34 = arith.addi %add3A_33, %mul3A_32 : i32
        %get3A = arith.index_cast %add3A_34 : i32 to index
        %get3A_35 = tpu.vector_load %arg9[%get3A] {strides = array<i32>} : memref<1024xi32, #tpu.memory_space<vmem>>, vector<16xi32>,
        %max3A = arith.constant 0 : i32
        %max3A_36 = vector.broadcast %max3A : i32 to vector<16xi32>
        %max3A_37 = arith.maxsi %get3A_35, %max3A_36 : vector<16xi32>
        %min3A = arith.constant 8191 : i32
        %min3A_38 = vector.broadcast %min3A : i32 to vector<16xi32>
        %min3A_39 = arith.minsi %max3A_37, %min3A_38 : vector<16xi32>
        %gather3A = tpu.vector_load_idx %arg8[%min3A_39] : memref<8192xi32, #tpu.memory_space<vmem>>[vector<16xi32>], vector<16xi32>,
        %add3A_40 = arith.addi %add3A_14, %add3A_34 : i32
        %iota3A = tpu.iota {dimensions = array<i32: 0>} : vector<16xi32>
        %add3A_41 = vector.broadcast %add3A_40 : i32 to vector<16xi32>
        %add3A_42 = arith.addi %add3A_41, %iota3A : vector<16xi32>
        %shift_right_logical3A = arith.constant 5 : i32
        %shift_right_logical3A_43 = vector.broadcast %shift_right_logical3A : i32 to vector<16xi32>
        %shift_right_logical3A_44 = arith.shrui %add3A_42, %shift_right_logical3A_43 : vector<16xi32>
        %gather3A_45 = tpu.vector_load_idx %arg8[%shift_right_logical3A_44] : memref<8192xi32, #tpu.memory_space<vmem>>[vector<16xi32>], vector<16xi32>,
        %and3A = arith.constant 1023 : i32
        %and3A_46 = vector.broadcast %and3A : i32 to vector<16xi32>
        %and3A_47 = arith.andi %min3A_39, %and3A_46 : vector<16xi32>
        %shift_left3A = arith.constant 3 : i32
        %shift_left3A_48 = vector.broadcast %shift_left3A : i32 to vector<16xi32>
        %shift_left3A_49 = arith.shli %and3A_47, %shift_left3A_48 : vector<16xi32>
        %shift_right_logical3A_50 = arith.constant 10 : i32
        %shift_right_logical3A_51 = vector.broadcast %shift_right_logical3A_50 : i32 to vector<16xi32>
        %shift_right_logical3A_52 = arith.shrui %min3A_39, %shift_right_logical3A_51 : vector<16xi32>
        %or3A = arith.ori %shift_left3A_49, %shift_right_logical3A_52 : vector<16xi32>
        %swap3A = arith.index_cast %add3A_34 : i32 to index
        %swap3A_53 = tpu.vector_load %arg9[%swap3A] {strides = array<i32>} : memref<1024xi32, #tpu.memory_space<vmem>>, vector<16xi32>,
        tpu.vector_store %arg9[%swap3A], %or3A {strides = array<i32>} : memref<1024xi32, #tpu.memory_space<vmem>>, vector<16xi32>,
        %mul3A_54 = arith.constant 512 : i32
        %mul3A_55 = vector.broadcast %mul3A_54 : i32 to vector<16xi32>
        %mul3A_56 = arith.muli %gather3A_45, %mul3A_55 : vector<16xi32>
        %add3A_57 = arith.addi %mul3A_56, %gather3A : vector<16xi32>
        %and3A_58 = arith.constant -8192 : i32
        %and3A_59 = vector.broadcast %and3A_58 : i32 to vector<16xi32>
        %and3A_60 = arith.andi %add3A_57, %and3A_59 : vector<16xi32>
        %and3A_61 = arith.constant 1023 : i32
        %and3A_62 = vector.broadcast %and3A_61 : i32 to vector<16xi32>
        %and3A_63 = arith.andi %add3A_57, %and3A_62 : vector<16xi32>
        %shift_left3A_64 = arith.constant 3 : i32
        %shift_left3A_65 = vector.broadcast %shift_left3A_64 : i32 to vector<16xi32>
        %shift_left3A_66 = arith.shli %and3A_63, %shift_left3A_65 : vector<16xi32>
        %or3A_67 = arith.ori %and3A_60, %shift_left3A_66 : vector<16xi32>
        %shift_right_logical3A_68 = arith.constant 10 : i32
        %shift_right_logical3A_69 = vector.broadcast %shift_right_logical3A_68 : i32 to vector<16xi32>
        %shift_right_logical3A_70 = arith.shrui %add3A_57, %shift_right_logical3A_69 : vector<16xi32>
        %and3A_71 = arith.constant 7 : i32
        %and3A_72 = vector.broadcast %and3A_71 : i32 to vector<16xi32>
        %and3A_73 = arith.andi %shift_right_logical3A_70, %and3A_72 : vector<16xi32>
        %or3A_74 = arith.ori %or3A_67, %and3A_73 : vector<16xi32>
        %swap3A_75 = arith.index_cast %add3A_34 : i32 to index
        %swap3A_76 = tpu.vector_load %arg10[%swap3A_75] {strides = array<i32>} : memref<1024xi32, #tpu.memory_space<vmem>>, vector<16xi32>,
        tpu.vector_store %arg10[%swap3A_75], %or3A_74 {strides = array<i32>} : memref<1024xi32, #tpu.memory_space<vmem>>, vector<16xi32>,
      }
      %scan3A_19 = arith.constant 64 : i32
      %dma_start3A = arith.constant 0 : i32
      %dma_start3A_20 = arith.constant 0 : i32
      %dma_start3A_21 = tpu.memref_slice %arg4[%dma_start3A, %dma_start3A_20] : memref<8192x16xf32, #tpu.memory_space<hbm>> -> memref<8192x16xf32, #tpu.memory_space<hbm>>
      tpu.enqueue_indirect_dma source(%dma_start3A_21 : memref<8192x16xf32, #tpu.memory_space<hbm>>) target(%arg11 : memref<1024x16xf32, #tpu.memory_space<vmem>>) offsets(%arg9 : memref<1024xi32, #tpu.memory_space<vmem>>) semaphore(%arg13 : memref<!tpu.dma_semaphore, #tpu.memory_space<semaphore_mem>>)
      %dma_start3A_22 = arith.constant 0 : i32
      %dma_start3A_23 = arith.constant 0 : i32
      %dma_start3A_24 = tpu.memref_slice %arg5[%dma_start3A_22, %dma_start3A_23] : memref<262144x16xf32, #tpu.memory_space<hbm>> -> memref<262144x16xf32, #tpu.memory_space<hbm>>
      tpu.enqueue_indirect_dma source(%dma_start3A_24 : memref<262144x16xf32, #tpu.memory_space<hbm>>) target(%arg12 : memref<1024x16xf32, #tpu.memory_space<vmem>>) offsets(%arg10 : memref<1024xi32, #tpu.memory_space<vmem>>) semaphore(%arg14 : memref<!tpu.dma_semaphore, #tpu.memory_space<semaphore_mem>>)
      %dma_wait3A = arith.constant 0 : i32
      %dma_wait3A_25 = arith.constant 0 : i32
      %dma_wait3A_26 = tpu.memref_slice %arg4[%dma_wait3A, %dma_wait3A_25] : memref<8192x16xf32, #tpu.memory_space<hbm>> -> memref<8192x16xf32, #tpu.memory_space<hbm>>
      tpu.wait_indirect_dma semaphore(%arg13 : memref<!tpu.dma_semaphore, #tpu.memory_space<semaphore_mem>>) src(%dma_wait3A_26 : memref<8192x16xf32, #tpu.memory_space<hbm>>) dst(%arg11 : memref<1024x16xf32, #tpu.memory_space<vmem>>)
      %dma_wait3A_27 = arith.constant 0 : i32
      %dma_wait3A_28 = arith.constant 0 : i32
      %dma_wait3A_29 = tpu.memref_slice %arg5[%dma_wait3A_27, %dma_wait3A_28] : memref<262144x16xf32, #tpu.memory_space<hbm>> -> memref<262144x16xf32, #tpu.memory_space<hbm>>
      tpu.wait_indirect_dma semaphore(%arg14 : memref<!tpu.dma_semaphore, #tpu.memory_space<semaphore_mem>>) src(%dma_wait3A_29 : memref<262144x16xf32, #tpu.memory_space<hbm>>) dst(%arg12 : memref<1024x16xf32, #tpu.memory_space<vmem>>)
      "tpu.region"() ({
        %run_scoped3A = tpu.sem_alloc : memref<!tpu.dma_semaphore, #tpu.memory_space<semaphore_mem>>
        %dma_start3A_30 = arith.constant 0 : i32
        %dma_start3A_31 = tpu.memref_slice %arg6[%add3A_14, %dma_start3A_30] : memref<262144x16xf32, #tpu.memory_space<hbm>> -> memref<1024x16xf32, #tpu.memory_space<hbm>>
        %dma_start3A_32 = arith.constant 0 : i32
        %dma_start3A_33 = tpu.memref_slice %arg6[%add3A_14, %dma_start3A_32] : memref<262144x16xf32, #tpu.memory_space<hbm>> -> memref<1024x16xf32, #tpu.memory_space<hbm>>
        tpu.enqueue_dma source(%arg11 : memref<1024x16xf32, #tpu.memory_space<vmem>>) target(%dma_start3A_33 : memref<1024x16xf32, #tpu.memory_space<hbm>>) target_semaphore(%run_scoped3A : memref<!tpu.dma_semaphore, #tpu.memory_space<semaphore_mem>>)
        %dma_wait3A_34 = arith.constant 0 : i32
        %dma_wait3A_35 = tpu.memref_slice %arg6[%add3A_14, %dma_wait3A_34] : memref<262144x16xf32, #tpu.memory_space<hbm>> -> memref<1024x16xf32, #tpu.memory_space<hbm>>
        %dma_wait3A_36 = arith.constant 0 : i32
        %dma_wait3A_37 = tpu.memref_slice %arg6[%add3A_14, %dma_wait3A_36] : memref<262144x16xf32, #tpu.memory_space<hbm>> -> memref<1024x16xf32, #tpu.memory_space<hbm>>
        tpu.wait_dma2 semaphore(%run_scoped3A : memref<!tpu.dma_semaphore, #tpu.memory_space<semaphore_mem>>) src(%arg11 : memref<1024x16xf32, #tpu.memory_space<vmem>>) dst(%dma_wait3A_37 : memref<1024x16xf32, #tpu.memory_space<hbm>>)
        tpu.yield
      }) : () -> ()
      "tpu.region"() ({
        %run_scoped3A = tpu.sem_alloc : memref<!tpu.dma_semaphore, #tpu.memory_space<semaphore_mem>>
        %dma_start3A_30 = arith.constant 0 : i32
        %dma_start3A_31 = tpu.memref_slice %arg7[%add3A_14, %dma_start3A_30] : memref<262144x16xf32, #tpu.memory_space<hbm>> -> memref<1024x16xf32, #tpu.memory_space<hbm>>
        %dma_start3A_32 = arith.constant 0 : i32
        %dma_start3A_33 = tpu.memref_slice %arg7[%add3A_14, %dma_start3A_32] : memref<262144x16xf32, #tpu.memory_space<hbm>> -> memref<1024x16xf32, #tpu.memory_space<hbm>>
        tpu.enqueue_dma source(%arg12 : memref<1024x16xf32, #tpu.memory_space<vmem>>) target(%dma_start3A_33 : memref<1024x16xf32, #tpu.memory_space<hbm>>) target_semaphore(%run_scoped3A : memref<!tpu.dma_semaphore, #tpu.memory_space<semaphore_mem>>)
        %dma_wait3A_34 = arith.constant 0 : i32
        %dma_wait3A_35 = tpu.memref_slice %arg7[%add3A_14, %dma_wait3A_34] : memref<262144x16xf32, #tpu.memory_space<hbm>> -> memref<1024x16xf32, #tpu.memory_space<hbm>>
        %dma_wait3A_36 = arith.constant 0 : i32
        %dma_wait3A_37 = tpu.memref_slice %arg7[%add3A_14, %dma_wait3A_36] : memref<262144x16xf32, #tpu.memory_space<hbm>> -> memref<1024x16xf32, #tpu.memory_space<hbm>>
        tpu.wait_dma2 semaphore(%run_scoped3A : memref<!tpu.dma_semaphore, #tpu.memory_space<semaphore_mem>>) src(%arg12 : memref<1024x16xf32, #tpu.memory_space<vmem>>) dst(%dma_wait3A_37 : memref<1024x16xf32, #tpu.memory_space<hbm>>)
        tpu.yield
      }) : () -> ()
    }
    %scan3A_4 = arith.constant 8 : i32
    return
  }
}

module attributes {stable_mosaic.version = 14 : i64} {
  func.func @_proj_body(%arg0: memref<8192x128xf32, #tpu.memory_space<vmem>>, %arg1: memref<128x16xf32, #tpu.memory_space<vmem>>, %arg2: memref<128x16xf32, #tpu.memory_space<vmem>>, %arg3: memref<8192x16xf32, #tpu.memory_space<vmem>>, %arg4: memref<1024x128xf32, #tpu.memory_space<vmem>>) attributes {dimension_semantics = [], scalar_prefetch = 0 : i64, scratch_operands = 0 : i64, tpu.core_type = #tpu.core_type<tc>} {
    %get3A = arith.constant 0 : index
    %get3A_0 = arith.constant 0 : index
    %get3A_1 = vector.load %arg0[%get3A, %get3A_0] : memref<8192x128xf32, #tpu.memory_space<vmem>>, vector<8192x128xf32>
    %max3A = arith.constant 0.000000e+00 : f32
    %max3A_2 = vector.broadcast %max3A : f32 to vector<8192x128xf32>
    %max3A_3 = arith.maximumf %get3A_1, %max3A_2 : vector<8192x128xf32>
    %get3A_4 = arith.constant 0 : index
    %get3A_5 = arith.constant 0 : index
    %get3A_6 = vector.load %arg1[%get3A_4, %get3A_5] : memref<128x16xf32, #tpu.memory_space<vmem>>, vector<128x16xf32>
    %dot_general3A = arith.constant dense<0.000000e+00> : vector<8192x16xf32>
    %dot_general3A_7 = tpu.matmul %max3A_3, %get3A_6, %dot_general3A {dimension_numbers = #tpu.dot_dimension_numbers<[1], [0], [0], [1], [0, 0, 1, 1], [], []>, transpose_lhs_hint = false} : vector<8192x128xf32>, vector<128x16xf32>, vector<8192x16xf32> -> vector<8192x16xf32>
    %swap3A = arith.constant 0 : index
    %swap3A_8 = arith.constant 0 : index
    %swap3A_9 = vector.load %arg3[%swap3A, %swap3A_8] : memref<8192x16xf32, #tpu.memory_space<vmem>>, vector<8192x16xf32>
    tpu.vector_store %arg3[%swap3A, %swap3A_8], %dot_general3A_7 {strides = array<i32>} : memref<8192x16xf32, #tpu.memory_space<vmem>>, vector<8192x16xf32>,
    %slice3A = vector.extract_strided_slice %max3A_3 {offsets = [0, 0], sizes = [1024, 128], strides = [1, 1]} : vector<8192x128xf32> to vector<1024x128xf32>
    %get3A_10 = arith.constant 0 : index
    %get3A_11 = arith.constant 0 : index
    %get3A_12 = vector.load %arg2[%get3A_10, %get3A_11] : memref<128x16xf32, #tpu.memory_space<vmem>>, vector<128x16xf32>
    %dot_general3A_13 = arith.constant dense<0.000000e+00> : vector<1024x16xf32>
    %dot_general3A_14 = tpu.matmul %slice3A, %get3A_12, %dot_general3A_13 {dimension_numbers = #tpu.dot_dimension_numbers<[1], [0], [0], [1], [0, 0, 1, 1], [], []>, transpose_lhs_hint = false} : vector<1024x128xf32>, vector<128x16xf32>, vector<1024x16xf32> -> vector<1024x16xf32>
    %swap3A_15 = arith.constant 0 : index
    %swap3A_16 = arith.constant 0 : index
    %swap3A_17 = vector.load %arg4[%swap3A_15, %swap3A_16] : memref<1024x128xf32, #tpu.memory_space<vmem>>, vector<1024x16xf32>
    tpu.vector_store %arg4[%swap3A_15, %swap3A_16], %dot_general3A_14 {strides = array<i32>} : memref<1024x128xf32, #tpu.memory_space<vmem>>, vector<1024x16xf32>,
    %slice3A_18 = vector.extract_strided_slice %max3A_3 {offsets = [1024, 0], sizes = [1024, 128], strides = [1, 1]} : vector<8192x128xf32> to vector<1024x128xf32>
    %get3A_19 = arith.constant 0 : index
    %get3A_20 = arith.constant 0 : index
    %get3A_21 = vector.load %arg2[%get3A_19, %get3A_20] : memref<128x16xf32, #tpu.memory_space<vmem>>, vector<128x16xf32>
    %dot_general3A_22 = arith.constant dense<0.000000e+00> : vector<1024x16xf32>
    %dot_general3A_23 = tpu.matmul %slice3A_18, %get3A_21, %dot_general3A_22 {dimension_numbers = #tpu.dot_dimension_numbers<[1], [0], [0], [1], [0, 0, 1, 1], [], []>, transpose_lhs_hint = false} : vector<1024x128xf32>, vector<128x16xf32>, vector<1024x16xf32> -> vector<1024x16xf32>
    %swap3A_24 = arith.constant 0 : index
    %swap3A_25 = arith.constant 16 : index
    %swap3A_26 = vector.load %arg4[%swap3A_24, %swap3A_25] : memref<1024x128xf32, #tpu.memory_space<vmem>>, vector<1024x16xf32>
    tpu.vector_store %arg4[%swap3A_24, %swap3A_25], %dot_general3A_23 {strides = array<i32>} : memref<1024x128xf32, #tpu.memory_space<vmem>>, vector<1024x16xf32>,
    %slice3A_27 = vector.extract_strided_slice %max3A_3 {offsets = [2048, 0], sizes = [1024, 128], strides = [1, 1]} : vector<8192x128xf32> to vector<1024x128xf32>
    %get3A_28 = arith.constant 0 : index
    %get3A_29 = arith.constant 0 : index
    %get3A_30 = vector.load %arg2[%get3A_28, %get3A_29] : memref<128x16xf32, #tpu.memory_space<vmem>>, vector<128x16xf32>
    %dot_general3A_31 = arith.constant dense<0.000000e+00> : vector<1024x16xf32>
    %dot_general3A_32 = tpu.matmul %slice3A_27, %get3A_30, %dot_general3A_31 {dimension_numbers = #tpu.dot_dimension_numbers<[1], [0], [0], [1], [0, 0, 1, 1], [], []>, transpose_lhs_hint = false} : vector<1024x128xf32>, vector<128x16xf32>, vector<1024x16xf32> -> vector<1024x16xf32>
    %swap3A_33 = arith.constant 0 : index
    %swap3A_34 = arith.constant 32 : index
    %swap3A_35 = vector.load %arg4[%swap3A_33, %swap3A_34] : memref<1024x128xf32, #tpu.memory_space<vmem>>, vector<1024x16xf32>
    tpu.vector_store %arg4[%swap3A_33, %swap3A_34], %dot_general3A_32 {strides = array<i32>} : memref<1024x128xf32, #tpu.memory_space<vmem>>, vector<1024x16xf32>,
    %slice3A_36 = vector.extract_strided_slice %max3A_3 {offsets = [3072, 0], sizes = [1024, 128], strides = [1, 1]} : vector<8192x128xf32> to vector<1024x128xf32>
    %get3A_37 = arith.constant 0 : index
    %get3A_38 = arith.constant 0 : index
    %get3A_39 = vector.load %arg2[%get3A_37, %get3A_38] : memref<128x16xf32, #tpu.memory_space<vmem>>, vector<128x16xf32>
    %dot_general3A_40 = arith.constant dense<0.000000e+00> : vector<1024x16xf32>
    %dot_general3A_41 = tpu.matmul %slice3A_36, %get3A_39, %dot_general3A_40 {dimension_numbers = #tpu.dot_dimension_numbers<[1], [0], [0], [1], [0, 0, 1, 1], [], []>, transpose_lhs_hint = false} : vector<1024x128xf32>, vector<128x16xf32>, vector<1024x16xf32> -> vector<1024x16xf32>
    %swap3A_42 = arith.constant 0 : index
    %swap3A_43 = arith.constant 48 : index
    %swap3A_44 = vector.load %arg4[%swap3A_42, %swap3A_43] : memref<1024x128xf32, #tpu.memory_space<vmem>>, vector<1024x16xf32>
    tpu.vector_store %arg4[%swap3A_42, %swap3A_43], %dot_general3A_41 {strides = array<i32>} : memref<1024x128xf32, #tpu.memory_space<vmem>>, vector<1024x16xf32>,
    %slice3A_45 = vector.extract_strided_slice %max3A_3 {offsets = [4096, 0], sizes = [1024, 128], strides = [1, 1]} : vector<8192x128xf32> to vector<1024x128xf32>
    %get3A_46 = arith.constant 0 : index
    %get3A_47 = arith.constant 0 : index
    %get3A_48 = vector.load %arg2[%get3A_46, %get3A_47] : memref<128x16xf32, #tpu.memory_space<vmem>>, vector<128x16xf32>
    %dot_general3A_49 = arith.constant dense<0.000000e+00> : vector<1024x16xf32>
    %dot_general3A_50 = tpu.matmul %slice3A_45, %get3A_48, %dot_general3A_49 {dimension_numbers = #tpu.dot_dimension_numbers<[1], [0], [0], [1], [0, 0, 1, 1], [], []>, transpose_lhs_hint = false} : vector<1024x128xf32>, vector<128x16xf32>, vector<1024x16xf32> -> vector<1024x16xf32>
    %swap3A_51 = arith.constant 0 : index
    %swap3A_52 = arith.constant 64 : index
    %swap3A_53 = vector.load %arg4[%swap3A_51, %swap3A_52] : memref<1024x128xf32, #tpu.memory_space<vmem>>, vector<1024x16xf32>
    tpu.vector_store %arg4[%swap3A_51, %swap3A_52], %dot_general3A_50 {strides = array<i32>} : memref<1024x128xf32, #tpu.memory_space<vmem>>, vector<1024x16xf32>,
    %slice3A_54 = vector.extract_strided_slice %max3A_3 {offsets = [5120, 0], sizes = [1024, 128], strides = [1, 1]} : vector<8192x128xf32> to vector<1024x128xf32>
    %get3A_55 = arith.constant 0 : index
    %get3A_56 = arith.constant 0 : index
    %get3A_57 = vector.load %arg2[%get3A_55, %get3A_56] : memref<128x16xf32, #tpu.memory_space<vmem>>, vector<128x16xf32>
    %dot_general3A_58 = arith.constant dense<0.000000e+00> : vector<1024x16xf32>
    %dot_general3A_59 = tpu.matmul %slice3A_54, %get3A_57, %dot_general3A_58 {dimension_numbers = #tpu.dot_dimension_numbers<[1], [0], [0], [1], [0, 0, 1, 1], [], []>, transpose_lhs_hint = false} : vector<1024x128xf32>, vector<128x16xf32>, vector<1024x16xf32> -> vector<1024x16xf32>
    %swap3A_60 = arith.constant 0 : index
    %swap3A_61 = arith.constant 80 : index
    %swap3A_62 = vector.load %arg4[%swap3A_60, %swap3A_61] : memref<1024x128xf32, #tpu.memory_space<vmem>>, vector<1024x16xf32>
    tpu.vector_store %arg4[%swap3A_60, %swap3A_61], %dot_general3A_59 {strides = array<i32>} : memref<1024x128xf32, #tpu.memory_space<vmem>>, vector<1024x16xf32>,
    %slice3A_63 = vector.extract_strided_slice %max3A_3 {offsets = [6144, 0], sizes = [1024, 128], strides = [1, 1]} : vector<8192x128xf32> to vector<1024x128xf32>
    %get3A_64 = arith.constant 0 : index
    %get3A_65 = arith.constant 0 : index
    %get3A_66 = vector.load %arg2[%get3A_64, %get3A_65] : memref<128x16xf32, #tpu.memory_space<vmem>>, vector<128x16xf32>
    %dot_general3A_67 = arith.constant dense<0.000000e+00> : vector<1024x16xf32>
    %dot_general3A_68 = tpu.matmul %slice3A_63, %get3A_66, %dot_general3A_67 {dimension_numbers = #tpu.dot_dimension_numbers<[1], [0], [0], [1], [0, 0, 1, 1], [], []>, transpose_lhs_hint = false} : vector<1024x128xf32>, vector<128x16xf32>, vector<1024x16xf32> -> vector<1024x16xf32>
    %swap3A_69 = arith.constant 0 : index
    %swap3A_70 = arith.constant 96 : index
    %swap3A_71 = vector.load %arg4[%swap3A_69, %swap3A_70] : memref<1024x128xf32, #tpu.memory_space<vmem>>, vector<1024x16xf32>
    tpu.vector_store %arg4[%swap3A_69, %swap3A_70], %dot_general3A_68 {strides = array<i32>} : memref<1024x128xf32, #tpu.memory_space<vmem>>, vector<1024x16xf32>,
    %slice3A_72 = vector.extract_strided_slice %max3A_3 {offsets = [7168, 0], sizes = [1024, 128], strides = [1, 1]} : vector<8192x128xf32> to vector<1024x128xf32>
    %get3A_73 = arith.constant 0 : index
    %get3A_74 = arith.constant 0 : index
    %get3A_75 = vector.load %arg2[%get3A_73, %get3A_74] : memref<128x16xf32, #tpu.memory_space<vmem>>, vector<128x16xf32>
    %dot_general3A_76 = arith.constant dense<0.000000e+00> : vector<1024x16xf32>
    %dot_general3A_77 = tpu.matmul %slice3A_72, %get3A_75, %dot_general3A_76 {dimension_numbers = #tpu.dot_dimension_numbers<[1], [0], [0], [1], [0, 0, 1, 1], [], []>, transpose_lhs_hint = false} : vector<1024x128xf32>, vector<128x16xf32>, vector<1024x16xf32> -> vector<1024x16xf32>
    %swap3A_78 = arith.constant 0 : index
    %swap3A_79 = arith.constant 112 : index
    %swap3A_80 = vector.load %arg4[%swap3A_78, %swap3A_79] : memref<1024x128xf32, #tpu.memory_space<vmem>>, vector<1024x16xf32>
    tpu.vector_store %arg4[%swap3A_78, %swap3A_79], %dot_general3A_77 {strides = array<i32>} : memref<1024x128xf32, #tpu.memory_space<vmem>>, vector<1024x16xf32>,
    return
  }
}

module attributes {stable_mosaic.version = 14 : i64} {
  func.func @_zp_body(%arg0: i32, %arg1: memref<8192x128xf32, #tpu.memory_space<vmem>>, %arg2: memref<1x128xf32, #tpu.memory_space<vmem>>, %arg3: memref<128x16xf32, #tpu.memory_space<vmem>>, %arg4: memref<1024x128xf32, #tpu.memory_space<vmem>>) attributes {dimension_semantics = [#tpu.dimension_semantics<arbitrary>], iteration_bounds = array<i64: 32>, scalar_prefetch = 0 : i64, scratch_operands = 0 : i64, tpu.core_type = #tpu.core_type<tc>, window_params = [{transform_indices = @transform_0, window_bounds = array<i64: 8192, 128>}, {pipeline_mode = #tpu.pipeline_mode<synchronous>, transform_indices = @transform_1, window_bounds = array<i64: 1, 128>}, {pipeline_mode = #tpu.pipeline_mode<synchronous>, transform_indices = @transform_2, window_bounds = array<i64: 128, 16>}, {transform_indices = @transform_3, window_bounds = array<i64: 1024, 128>}]} {
    %get3A = arith.constant 0 : index
    %get3A_0 = arith.constant 0 : index
    %get3A_1 = vector.load %arg1[%get3A, %get3A_0] : memref<8192x128xf32, #tpu.memory_space<vmem>>, vector<8192x128xf32>
    %mul3A = arith.mulf %get3A_1, %get3A_1 : vector<8192x128xf32>
    %reduce_sum3A = arith.constant dense<0.000000e+00> : vector<8192xf32>
    %reduce_sum3A_2 = vector.multi_reduction <add>, %mul3A, %reduce_sum3A [1] : vector<8192x128xf32> to vector<8192xf32>
    %broadcast_in_dim3A = vector.shape_cast %reduce_sum3A_2 : vector<8192xf32> to vector<8192x1xf32>
    %div3A = arith.constant 1.280000e+02 : f32
    %div3A_3 = vector.broadcast %div3A : f32 to vector<8192x1xf32>
    %div3A_4 = arith.divf %broadcast_in_dim3A, %div3A_3 : vector<8192x1xf32>
    %add3A = arith.constant 1.1920929E-7 : f32
    %add3A_5 = vector.broadcast %add3A : f32 to vector<8192x1xf32>
    %add3A_6 = arith.addf %div3A_4, %add3A_5 : vector<8192x1xf32>
    %rsqrt3A = math.rsqrt %add3A_6 : vector<8192x1xf32>
    %mul3A_7 = vector.broadcast %rsqrt3A : vector<8192x1xf32> to vector<8192x128xf32>
    %mul3A_8 = arith.mulf %get3A_1, %mul3A_7 : vector<8192x128xf32>
    %get3A_9 = arith.constant 0 : index
    %get3A_10 = arith.constant 0 : index
    %get3A_11 = vector.load %arg2[%get3A_9, %get3A_10] : memref<1x128xf32, #tpu.memory_space<vmem>>, vector<1x128xf32>
    %mul3A_12 = vector.broadcast %get3A_11 : vector<1x128xf32> to vector<8192x128xf32>
    %mul3A_13 = arith.mulf %mul3A_8, %mul3A_12 : vector<8192x128xf32>
    %slice3A = vector.extract_strided_slice %mul3A_13 {offsets = [0, 0], sizes = [1024, 128], strides = [1, 1]} : vector<8192x128xf32> to vector<1024x128xf32>
    %get3A_14 = arith.constant 0 : index
    %get3A_15 = arith.constant 0 : index
    %get3A_16 = vector.load %arg3[%get3A_14, %get3A_15] : memref<128x16xf32, #tpu.memory_space<vmem>>, vector<128x16xf32>
    %dot_general3A = arith.constant dense<0.000000e+00> : vector<1024x16xf32>
    %dot_general3A_17 = tpu.matmul %slice3A, %get3A_16, %dot_general3A {dimension_numbers = #tpu.dot_dimension_numbers<[1], [0], [0], [1], [0, 0, 1, 1], [], []>, transpose_lhs_hint = false} : vector<1024x128xf32>, vector<128x16xf32>, vector<1024x16xf32> -> vector<1024x16xf32>
    %swap3A = arith.constant 0 : index
    %swap3A_18 = arith.constant 0 : index
    %swap3A_19 = vector.load %arg4[%swap3A, %swap3A_18] : memref<1024x128xf32, #tpu.memory_space<vmem>>, vector<1024x16xf32>
    tpu.vector_store %arg4[%swap3A, %swap3A_18], %dot_general3A_17 {strides = array<i32>} : memref<1024x128xf32, #tpu.memory_space<vmem>>, vector<1024x16xf32>,
    %slice3A_20 = vector.extract_strided_slice %mul3A_13 {offsets = [1024, 0], sizes = [1024, 128], strides = [1, 1]} : vector<8192x128xf32> to vector<1024x128xf32>
    %get3A_21 = arith.constant 0 : index
    %get3A_22 = arith.constant 0 : index
    %get3A_23 = vector.load %arg3[%get3A_21, %get3A_22] : memref<128x16xf32, #tpu.memory_space<vmem>>, vector<128x16xf32>
    %dot_general3A_24 = arith.constant dense<0.000000e+00> : vector<1024x16xf32>
    %dot_general3A_25 = tpu.matmul %slice3A_20, %get3A_23, %dot_general3A_24 {dimension_numbers = #tpu.dot_dimension_numbers<[1], [0], [0], [1], [0, 0, 1, 1], [], []>, transpose_lhs_hint = false} : vector<1024x128xf32>, vector<128x16xf32>, vector<1024x16xf32> -> vector<1024x16xf32>
    %swap3A_26 = arith.constant 0 : index
    %swap3A_27 = arith.constant 16 : index
    %swap3A_28 = vector.load %arg4[%swap3A_26, %swap3A_27] : memref<1024x128xf32, #tpu.memory_space<vmem>>, vector<1024x16xf32>
    tpu.vector_store %arg4[%swap3A_26, %swap3A_27], %dot_general3A_25 {strides = array<i32>} : memref<1024x128xf32, #tpu.memory_space<vmem>>, vector<1024x16xf32>,
    %slice3A_29 = vector.extract_strided_slice %mul3A_13 {offsets = [2048, 0], sizes = [1024, 128], strides = [1, 1]} : vector<8192x128xf32> to vector<1024x128xf32>
    %get3A_30 = arith.constant 0 : index
    %get3A_31 = arith.constant 0 : index
    %get3A_32 = vector.load %arg3[%get3A_30, %get3A_31] : memref<128x16xf32, #tpu.memory_space<vmem>>, vector<128x16xf32>
    %dot_general3A_33 = arith.constant dense<0.000000e+00> : vector<1024x16xf32>
    %dot_general3A_34 = tpu.matmul %slice3A_29, %get3A_32, %dot_general3A_33 {dimension_numbers = #tpu.dot_dimension_numbers<[1], [0], [0], [1], [0, 0, 1, 1], [], []>, transpose_lhs_hint = false} : vector<1024x128xf32>, vector<128x16xf32>, vector<1024x16xf32> -> vector<1024x16xf32>
    %swap3A_35 = arith.constant 0 : index
    %swap3A_36 = arith.constant 32 : index
    %swap3A_37 = vector.load %arg4[%swap3A_35, %swap3A_36] : memref<1024x128xf32, #tpu.memory_space<vmem>>, vector<1024x16xf32>
    tpu.vector_store %arg4[%swap3A_35, %swap3A_36], %dot_general3A_34 {strides = array<i32>} : memref<1024x128xf32, #tpu.memory_space<vmem>>, vector<1024x16xf32>,
    %slice3A_38 = vector.extract_strided_slice %mul3A_13 {offsets = [3072, 0], sizes = [1024, 128], strides = [1, 1]} : vector<8192x128xf32> to vector<1024x128xf32>
    %get3A_39 = arith.constant 0 : index
    %get3A_40 = arith.constant 0 : index
    %get3A_41 = vector.load %arg3[%get3A_39, %get3A_40] : memref<128x16xf32, #tpu.memory_space<vmem>>, vector<128x16xf32>
    %dot_general3A_42 = arith.constant dense<0.000000e+00> : vector<1024x16xf32>
    %dot_general3A_43 = tpu.matmul %slice3A_38, %get3A_41, %dot_general3A_42 {dimension_numbers = #tpu.dot_dimension_numbers<[1], [0], [0], [1], [0, 0, 1, 1], [], []>, transpose_lhs_hint = false} : vector<1024x128xf32>, vector<128x16xf32>, vector<1024x16xf32> -> vector<1024x16xf32>
    %swap3A_44 = arith.constant 0 : index
    %swap3A_45 = arith.constant 48 : index
    %swap3A_46 = vector.load %arg4[%swap3A_44, %swap3A_45] : memref<1024x128xf32, #tpu.memory_space<vmem>>, vector<1024x16xf32>
    tpu.vector_store %arg4[%swap3A_44, %swap3A_45], %dot_general3A_43 {strides = array<i32>} : memref<1024x128xf32, #tpu.memory_space<vmem>>, vector<1024x16xf32>,
    %slice3A_47 = vector.extract_strided_slice %mul3A_13 {offsets = [4096, 0], sizes = [1024, 128], strides = [1, 1]} : vector<8192x128xf32> to vector<1024x128xf32>
    %get3A_48 = arith.constant 0 : index
    %get3A_49 = arith.constant 0 : index
    %get3A_50 = vector.load %arg3[%get3A_48, %get3A_49] : memref<128x16xf32, #tpu.memory_space<vmem>>, vector<128x16xf32>
    %dot_general3A_51 = arith.constant dense<0.000000e+00> : vector<1024x16xf32>
    %dot_general3A_52 = tpu.matmul %slice3A_47, %get3A_50, %dot_general3A_51 {dimension_numbers = #tpu.dot_dimension_numbers<[1], [0], [0], [1], [0, 0, 1, 1], [], []>, transpose_lhs_hint = false} : vector<1024x128xf32>, vector<128x16xf32>, vector<1024x16xf32> -> vector<1024x16xf32>
    %swap3A_53 = arith.constant 0 : index
    %swap3A_54 = arith.constant 64 : index
    %swap3A_55 = vector.load %arg4[%swap3A_53, %swap3A_54] : memref<1024x128xf32, #tpu.memory_space<vmem>>, vector<1024x16xf32>
    tpu.vector_store %arg4[%swap3A_53, %swap3A_54], %dot_general3A_52 {strides = array<i32>} : memref<1024x128xf32, #tpu.memory_space<vmem>>, vector<1024x16xf32>,
    %slice3A_56 = vector.extract_strided_slice %mul3A_13 {offsets = [5120, 0], sizes = [1024, 128], strides = [1, 1]} : vector<8192x128xf32> to vector<1024x128xf32>
    %get3A_57 = arith.constant 0 : index
    %get3A_58 = arith.constant 0 : index
    %get3A_59 = vector.load %arg3[%get3A_57, %get3A_58] : memref<128x16xf32, #tpu.memory_space<vmem>>, vector<128x16xf32>
    %dot_general3A_60 = arith.constant dense<0.000000e+00> : vector<1024x16xf32>
    %dot_general3A_61 = tpu.matmul %slice3A_56, %get3A_59, %dot_general3A_60 {dimension_numbers = #tpu.dot_dimension_numbers<[1], [0], [0], [1], [0, 0, 1, 1], [], []>, transpose_lhs_hint = false} : vector<1024x128xf32>, vector<128x16xf32>, vector<1024x16xf32> -> vector<1024x16xf32>
    %swap3A_62 = arith.constant 0 : index
    %swap3A_63 = arith.constant 80 : index
    %swap3A_64 = vector.load %arg4[%swap3A_62, %swap3A_63] : memref<1024x128xf32, #tpu.memory_space<vmem>>, vector<1024x16xf32>
    tpu.vector_store %arg4[%swap3A_62, %swap3A_63], %dot_general3A_61 {strides = array<i32>} : memref<1024x128xf32, #tpu.memory_space<vmem>>, vector<1024x16xf32>,
    %slice3A_65 = vector.extract_strided_slice %mul3A_13 {offsets = [6144, 0], sizes = [1024, 128], strides = [1, 1]} : vector<8192x128xf32> to vector<1024x128xf32>
    %get3A_66 = arith.constant 0 : index
    %get3A_67 = arith.constant 0 : index
    %get3A_68 = vector.load %arg3[%get3A_66, %get3A_67] : memref<128x16xf32, #tpu.memory_space<vmem>>, vector<128x16xf32>
    %dot_general3A_69 = arith.constant dense<0.000000e+00> : vector<1024x16xf32>
    %dot_general3A_70 = tpu.matmul %slice3A_65, %get3A_68, %dot_general3A_69 {dimension_numbers = #tpu.dot_dimension_numbers<[1], [0], [0], [1], [0, 0, 1, 1], [], []>, transpose_lhs_hint = false} : vector<1024x128xf32>, vector<128x16xf32>, vector<1024x16xf32> -> vector<1024x16xf32>
    %swap3A_71 = arith.constant 0 : index
    %swap3A_72 = arith.constant 96 : index
    %swap3A_73 = vector.load %arg4[%swap3A_71, %swap3A_72] : memref<1024x128xf32, #tpu.memory_space<vmem>>, vector<1024x16xf32>
    tpu.vector_store %arg4[%swap3A_71, %swap3A_72], %dot_general3A_70 {strides = array<i32>} : memref<1024x128xf32, #tpu.memory_space<vmem>>, vector<1024x16xf32>,
    %slice3A_74 = vector.extract_strided_slice %mul3A_13 {offsets = [7168, 0], sizes = [1024, 128], strides = [1, 1]} : vector<8192x128xf32> to vector<1024x128xf32>
    %get3A_75 = arith.constant 0 : index
    %get3A_76 = arith.constant 0 : index
    %get3A_77 = vector.load %arg3[%get3A_75, %get3A_76] : memref<128x16xf32, #tpu.memory_space<vmem>>, vector<128x16xf32>
    %dot_general3A_78 = arith.constant dense<0.000000e+00> : vector<1024x16xf32>
    %dot_general3A_79 = tpu.matmul %slice3A_74, %get3A_77, %dot_general3A_78 {dimension_numbers = #tpu.dot_dimension_numbers<[1], [0], [0], [1], [0, 0, 1, 1], [], []>, transpose_lhs_hint = false} : vector<1024x128xf32>, vector<128x16xf32>, vector<1024x16xf32> -> vector<1024x16xf32>
    %swap3A_80 = arith.constant 0 : index
    %swap3A_81 = arith.constant 112 : index
    %swap3A_82 = vector.load %arg4[%swap3A_80, %swap3A_81] : memref<1024x128xf32, #tpu.memory_space<vmem>>, vector<1024x16xf32>
    tpu.vector_store %arg4[%swap3A_80, %swap3A_81], %dot_general3A_79 {strides = array<i32>} : memref<1024x128xf32, #tpu.memory_space<vmem>>, vector<1024x16xf32>,
    return
  }
  func.func @transform_0(%arg0: i32) -> (i32, i32) {
    %c0_i32 = arith.constant 0 : i32
    %c0_i32_0 = arith.constant 0 : i32
    return %arg0, %c0_i32 : i32, i32
  }
  func.func @transform_1(%arg0: i32) -> (i32, i32) {
    %c0_i32 = arith.constant 0 : i32
    %c0_i32_0 = arith.constant 0 : i32
    %c0_i32_1 = arith.constant 0 : i32
    return %c0_i32, %c0_i32_0 : i32, i32
  }
  func.func @transform_2(%arg0: i32) -> (i32, i32) {
    %c0_i32 = arith.constant 0 : i32
    %c0_i32_0 = arith.constant 0 : i32
    %c0_i32_1 = arith.constant 0 : i32
    return %c0_i32, %c0_i32_0 : i32, i32
  }
  func.func @transform_3(%arg0: i32) -> (i32, i32) {
    %c0_i32 = arith.constant 0 : i32
    %c0_i32_0 = arith.constant 0 : i32
    return %arg0, %c0_i32 : i32, i32
  }
}

module attributes {stable_mosaic.version = 14 : i64} {
  func.func @_mlp_body(%arg0: i32, %arg1: memref<2048x128xf32, #tpu.memory_space<vmem>>, %arg2: memref<2048x128xf32, #tpu.memory_space<vmem>>, %arg3: memref<512x16xf32, #tpu.memory_space<vmem>>, %arg4: memref<2048x512xf32, #tpu.memory_space<vmem>>, %arg5: memref<128x128xf32, #tpu.memory_space<vmem>>, %arg6: memref<128x128xf32, #tpu.memory_space<vmem>>, %arg7: memref<128x128xf32, #tpu.memory_space<vmem>>, %arg8: memref<512x512xf32, #tpu.memory_space<vmem>>) attributes {dimension_semantics = [#tpu.dimension_semantics<arbitrary>], iteration_bounds = array<i64: 16>, scalar_prefetch = 0 : i64, scratch_operands = 0 : i64, tpu.core_type = #tpu.core_type<tc>, window_params = [{transform_indices = @transform_0, window_bounds = array<i64: 2048, 128>}, {transform_indices = @transform_1, window_bounds = array<i64: 2048, 128>}, {transform_indices = @transform_2, window_bounds = array<i64: 512, 16>}, {pipeline_mode = #tpu.pipeline_mode<synchronous>, transform_indices = @transform_3, window_bounds = array<i64: 2048, 512>}, {pipeline_mode = #tpu.pipeline_mode<synchronous>, transform_indices = @transform_4, window_bounds = array<i64: 128, 128>}, {pipeline_mode = #tpu.pipeline_mode<synchronous>, transform_indices = @transform_5, window_bounds = array<i64: 128, 128>}, {pipeline_mode = #tpu.pipeline_mode<synchronous>, transform_indices = @transform_6, window_bounds = array<i64: 128, 128>}, {transform_indices = @transform_7, window_bounds = array<i64: 512, 512>}]} {
    %get3A = arith.constant 0 : index
    %get3A_0 = arith.constant 0 : index
    %get3A_1 = vector.load %arg3[%get3A, %get3A_0] : memref<512x16xf32, #tpu.memory_space<vmem>>, vector<512x16xf32>
    %concatenate3A = tpu.concatenate %get3A_1, %get3A_1, %get3A_1, %get3A_1, %get3A_1, %get3A_1, %get3A_1, %get3A_1 in 1 : vector<512x16xf32>, vector<512x16xf32>, vector<512x16xf32>, vector<512x16xf32>, vector<512x16xf32>, vector<512x16xf32>, vector<512x16xf32>, vector<512x16xf32> -> vector<512x128xf32>
    %get3A_2 = arith.constant 0 : index
    %get3A_3 = arith.constant 0 : index
    %get3A_4 = vector.load %arg4[%get3A_2, %get3A_3] : memref<2048x512xf32, #tpu.memory_space<vmem>>, vector<2048x512xf32>
    %dot_general3A = arith.constant dense<0.000000e+00> : vector<2048x128xf32>
    %dot_general3A_5 = tpu.matmul %get3A_4, %concatenate3A, %dot_general3A {dimension_numbers = #tpu.dot_dimension_numbers<[1], [0], [0], [1], [0, 0, 1, 1], [], []>, transpose_lhs_hint = false} : vector<2048x512xf32>, vector<512x128xf32>, vector<2048x128xf32> -> vector<2048x128xf32>
    %get3A_6 = arith.constant 0 : index
    %get3A_7 = arith.constant 0 : index
    %get3A_8 = vector.load %arg1[%get3A_6, %get3A_7] : memref<2048x128xf32, #tpu.memory_space<vmem>>, vector<2048x128xf32>
    %get3A_9 = arith.constant 0 : index
    %get3A_10 = arith.constant 0 : index
    %get3A_11 = vector.load %arg2[%get3A_9, %get3A_10] : memref<2048x128xf32, #tpu.memory_space<vmem>>, vector<2048x128xf32>
    %add3A = arith.addf %get3A_8, %get3A_11 : vector<2048x128xf32>
    %add3A_12 = arith.addf %add3A, %dot_general3A_5 : vector<2048x128xf32>
    %max3A = arith.constant 0.000000e+00 : f32
    %max3A_13 = vector.broadcast %max3A : f32 to vector<2048x128xf32>
    %max3A_14 = arith.maximumf %add3A_12, %max3A_13 : vector<2048x128xf32>
    %get3A_15 = arith.constant 0 : index
    %get3A_16 = arith.constant 0 : index
    %get3A_17 = vector.load %arg5[%get3A_15, %get3A_16] : memref<128x128xf32, #tpu.memory_space<vmem>>, vector<128x128xf32>
    %dot_general3A_18 = arith.constant dense<0.000000e+00> : vector<2048x128xf32>
    %dot_general3A_19 = tpu.matmul %max3A_14, %get3A_17, %dot_general3A_18 {dimension_numbers = #tpu.dot_dimension_numbers<[1], [0], [0], [1], [0, 0, 1, 1], [], []>, transpose_lhs_hint = false} : vector<2048x128xf32>, vector<128x128xf32>, vector<2048x128xf32> -> vector<2048x128xf32>
    %max3A_20 = arith.constant 0.000000e+00 : f32
    %max3A_21 = vector.broadcast %max3A_20 : f32 to vector<2048x128xf32>
    %max3A_22 = arith.maximumf %dot_general3A_19, %max3A_21 : vector<2048x128xf32>
    %get3A_23 = arith.constant 0 : index
    %get3A_24 = arith.constant 0 : index
    %get3A_25 = vector.load %arg6[%get3A_23, %get3A_24] : memref<128x128xf32, #tpu.memory_space<vmem>>, vector<128x128xf32>
    %dot_general3A_26 = arith.constant dense<0.000000e+00> : vector<2048x128xf32>
    %dot_general3A_27 = tpu.matmul %max3A_22, %get3A_25, %dot_general3A_26 {dimension_numbers = #tpu.dot_dimension_numbers<[1], [0], [0], [1], [0, 0, 1, 1], [], []>, transpose_lhs_hint = false} : vector<2048x128xf32>, vector<128x128xf32>, vector<2048x128xf32> -> vector<2048x128xf32>
    %max3A_28 = arith.constant 0.000000e+00 : f32
    %max3A_29 = vector.broadcast %max3A_28 : f32 to vector<2048x128xf32>
    %max3A_30 = arith.maximumf %dot_general3A_27, %max3A_29 : vector<2048x128xf32>
    %get3A_31 = arith.constant 0 : index
    %get3A_32 = arith.constant 0 : index
    %get3A_33 = vector.load %arg7[%get3A_31, %get3A_32] : memref<128x128xf32, #tpu.memory_space<vmem>>, vector<128x128xf32>
    %dot_general3A_34 = arith.constant dense<0.000000e+00> : vector<2048x128xf32>
    %dot_general3A_35 = tpu.matmul %max3A_30, %get3A_33, %dot_general3A_34 {dimension_numbers = #tpu.dot_dimension_numbers<[1], [0], [0], [1], [0, 0, 1, 1], [], []>, transpose_lhs_hint = false} : vector<2048x128xf32>, vector<128x128xf32>, vector<2048x128xf32> -> vector<2048x128xf32>
    %add3A_36 = arith.addf %add3A_12, %dot_general3A_35 : vector<2048x128xf32>
    %reshape3A = vector.shape_cast %add3A_36 : vector<2048x128xf32> to vector<512x512xf32>
    %swap3A = arith.constant 0 : index
    %swap3A_37 = arith.constant 0 : index
    %swap3A_38 = vector.load %arg8[%swap3A, %swap3A_37] : memref<512x512xf32, #tpu.memory_space<vmem>>, vector<512x512xf32>
    tpu.vector_store %arg8[%swap3A, %swap3A_37], %reshape3A {strides = array<i32>} : memref<512x512xf32, #tpu.memory_space<vmem>>, vector<512x512xf32>,
    return
  }
  func.func @transform_0(%arg0: i32) -> (i32, i32) {
    %c0_i32 = arith.constant 0 : i32
    %c0_i32_0 = arith.constant 0 : i32
    return %arg0, %c0_i32 : i32, i32
  }
  func.func @transform_1(%arg0: i32) -> (i32, i32) {
    %c0_i32 = arith.constant 0 : i32
    %c0_i32_0 = arith.constant 0 : i32
    return %arg0, %c0_i32 : i32, i32
  }
  func.func @transform_2(%arg0: i32) -> (i32, i32) {
    %c0_i32 = arith.constant 0 : i32
    %c0_i32_0 = arith.constant 0 : i32
    return %arg0, %c0_i32 : i32, i32
  }
  func.func @transform_3(%arg0: i32) -> (i32, i32) {
    %c0_i32 = arith.constant 0 : i32
    %c0_i32_0 = arith.constant 0 : i32
    %c0_i32_1 = arith.constant 0 : i32
    return %c0_i32, %c0_i32_0 : i32, i32
  }
  func.func @transform_4(%arg0: i32) -> (i32, i32) {
    %c0_i32 = arith.constant 0 : i32
    %c0_i32_0 = arith.constant 0 : i32
    %c0_i32_1 = arith.constant 0 : i32
    return %c0_i32, %c0_i32_0 : i32, i32
  }
  func.func @transform_5(%arg0: i32) -> (i32, i32) {
    %c0_i32 = arith.constant 0 : i32
    %c0_i32_0 = arith.constant 0 : i32
    %c0_i32_1 = arith.constant 0 : i32
    return %c0_i32, %c0_i32_0 : i32, i32
  }
  func.func @transform_6(%arg0: i32) -> (i32, i32) {
    %c0_i32 = arith.constant 0 : i32
    %c0_i32_0 = arith.constant 0 : i32
    %c0_i32_1 = arith.constant 0 : i32
    return %c0_i32, %c0_i32_0 : i32, i32
  }
  func.func @transform_7(%arg0: i32) -> (i32, i32) {
    %c0_i32 = arith.constant 0 : i32
    %c0_i32_0 = arith.constant 0 : i32
    return %arg0, %c0_i32 : i32, i32
  }
}

</mosaic_0001>

<sc_bundles>
// kernel: kernel.6.cloned.1.call-start
scs
__scs_entry_jumppad:
0x0: {  	(pc) =	sbr.rel $0x88, $3  }
0x1: {  	(tag) =	ssettag $0x0;
	lr =	simm.s32 $0x1  }
0x2: {  	[smem:$0x3F96] =	sst lr;
	_ =	strace $0xD0000000  }
0x3: {  	_ = 	snop  }
0x4: {  	_ = 	snop  }
0x5: {  	_ = 	snop  }
0x6: {  	_ = 	snop  }
0x7: {  	_ = 	snop  }
__scs_overlays_trampoline_lowered:
0x8: {  	[smem:$0x3FA5] =	sst s0  }
0x9: {  	[smem:$0x3FA6] =	sst s1  }
0xa: {  	[smem:$0x3FA7] =	sst s2  }
0xb: {  	[smem:$0x3FA8] =	sst s3  }
0xc: {  	[smem:$0x3FA9] =	sst s4  }
0xd: {  	[smem:$0x3FAA] =	sst s5  }
0xe: {  	[smem:$0x3FAB] =	sst s6  }
0xf: {  	[smem:$0x3FAC] =	sst s7  }
0x10: {  	[smem:$0x3FAD] =	sst s8  }
0x11: {  	[smem:$0x3FAE] =	sst s9;
	s0 =	simm.s32 @!p0 $0x0  }
0x12: {  	s1 =	sld [smem:$0x3F94];
	s0 =	simm.s32 @p0 $0x1  }
0x13: {  	[smem:$0x3FAF] =	sst s0;
	s0 =	simm.s32 @!p1 $0x0  }
0x14: {  	s2 =	sld [smem:$0x3F93];
	s0 =	simm.s32 @p1 $0x1  }
0x15: {  	[smem:$0x3FB0] =	sst s0;
	s0 =	simm.s32 @!p2 $0x0  }
0x16: {  	s3 =	sld [smem:$0x3FDB];
	s0 =	simm.s32 @p2 $0x1  }
0x17: {  	s4 =	simm.s32 $0x1BF5;
	[smem:$0x3FB2] =	sst s0  }
0x18: {  	s0 =	sld [smem:$0x3F95];
	_ =	swait.ge [sflag:s4], $0x0  }
0x19: {  	s7 =	sld [smem:$0x3F96]  }
0x1a: {  	s8 =	sadd.s32 $0xFFFFE003, lr  }
0x1b: {  	s9 =	sadd.s32 $0xFFFFFEF7, lr;
	s5 =	simm.s32 $0xFFFFFFFF;
	p2 =	slt.u32 s8, $0xFFFFF086  }
0x1c: {  	p1 =	slt.u32 s9, $0xF7A;
	s5 =	simm.s32 @!p2 $0x0  }
0x1d: {  	s5 =	simm.s32 @p1 $0x1;
	p0 =	seq.s32 s7, s2  }
0x1e: {  	s7 =	smul.u32 @!p0 $0xF7A, s2;
	p2 =	seq.s32 @!p0 s5, $0x0  }
0x1f: {  	s9 =	smul.u32 $0xF7A, s1;
	s8 =	simm.s32 @!p0 $0x1BF5;
	p2 =	por !p2, p0  }
0x20: {  	[sflag:s8] =	ssyncset.s32 @!p0 $0xFFFFF086;
	s6 =	sadd.s32 @!p0 s3, s7;
	s7 =	simm.s32 @!p0 $0x108  }
0x21: {  	s3 =	sadd.s32 s3, s9;
	s6 =	sadd.s32 @!p0 $0x88, s6;
	s7 =	simm.s32 @p2 $0x1082  }
0x22: {  	[simem:s7], [sflag:s8] =	dma.local @!p0 [hbm:s6], $0xF7A  }
0x23: {  	s9 =	sor.u32 $0xD0000000, s2;
	s6 =	simm.s32 $0x108;
	_ =	swait.ge @!p0 [sflag:s8], $0x0  }
0x24: {  	s3 =	sadd.s32 $0x88, s3;
	s6 =	simm.s32 @!p1 $0x1082;
	[sflag:s4] =	ssyncset.s32 $0xFFFFF086  }
0x25: {  	[simem:s6], [sflag:s4] =	dma.local [hbm:s3], $0xF7A  }
0x26: {  	[smem:$0x3F96] =	sst s1;
	(tag) =	ssettag s2;
	_ =	strace s9  }
0x27: {  	s1 =	sld [smem:$0x3FA6]  }
0x28: {  	s2 =	sld [smem:$0x3FA7]  }
0x29: {  	s4 =	sld [smem:$0x3FA9]  }
0x2a: {  	p0 =	seq.s32 s5, $0x0;
	s5 =	sld [smem:$0x3FAA]  }
0x2b: {  	s6 =	sld [smem:$0x3FAB]  }
0x2c: {  	s7 =	sld [smem:$0x3FAC]  }
0x2d: {  	s3 =	simm.s32 $0x108;
	s8 =	sld [smem:$0x3FAD]  }
0x2e: {  	s3 =	simm.s32 @!p0 $0x1082;
	s9 =	sld [smem:$0x3FAE]  }
0x2f: {  	lr =	sadd.s32 s0, s3;
	s0 =	sld [smem:$0x3FA5]  }
0x30: {  	s3 =	sld [smem:$0x3FA8]  }
0x31: {  	[smem:$0x3FB1] =	sst s10  }
0x32: {  	s10 =	sld [smem:$0x3FAF];
	_ =	sdelay $0x3  }
0x33: {  	p0 =	seq.s32 s10, $0x1;
	s10 =	sld [smem:$0x3FB1];
	_ =	sdelay $0x3  }
0x34: {  	[smem:$0x3FB1] =	sst s10  }
0x35: {  	s10 =	sld [smem:$0x3FB0];
	_ =	sdelay $0x3  }
0x36: {  	p1 =	seq.s32 s10, $0x1;
	s10 =	sld [smem:$0x3FB1];
	_ =	sdelay $0x3  }
0x37: {  	[smem:$0x3FB1] =	sst s10  }
0x38: {  	s10 =	sld [smem:$0x3FB2]  }
0x39: {  	_ = 	snop;
	(pc) =	sbr.ind lr, $3  }
0x3a: {  	_ = 	snop  }
0x3b: {  	_ = 	snop  }
0x3c: {  	p2 =	seq.s32 s10, $0x1;
	s10 =	sld [smem:$0x3FB1]  }
0x3d: {  	_ =	shalt  }
0x3e: {  	_ =	shalt  }
0x3f: {  	_ =	shalt  }
0x40: {  	_ =	shalt  }
0x41: {  	_ =	shalt  }
0x42: {  	_ =	shalt  }
0x43: {  	_ =	shalt  }
0x44: {  	_ =	shalt  }
0x45: {  	_ =	shalt  }
0x46: {  	_ =	shalt  }
0x47: {  	_ =	shalt  }
0x48: {  	_ =	shalt  }
0x49: {  	_ =	shalt  }
0x4a: {  	_ =	shalt  }
0x4b: {  	_ =	shalt  }
0x4c: {  	_ =	shalt  }
0x4d: {  	_ =	shalt  }
0x4e: {  	_ =	shalt  }
0x4f: {  	_ =	shalt  }
0x50: {  	_ =	shalt  }
0x51: {  	_ =	shalt  }
0x52: {  	_ =	shalt  }
0x53: {  	_ =	shalt  }
0x54: {  	_ =	shalt  }
0x55: {  	_ =	shalt  }
0x56: {  	_ =	shalt  }
0x57: {  	_ =	shalt  }
0x58: {  	_ =	shalt  }
0x59: {  	_ =	shalt  }
0x5a: {  	_ =	shalt  }
0x5b: {  	_ =	shalt  }
0x5c: {  	_ =	shalt  }
0x5d: {  	_ =	shalt  }
0x5e: {  	_ =	shalt  }
0x5f: {  	_ =	shalt  }
0x60: {  	_ =	shalt  }
0x61: {  	_ =	shalt  }
0x62: {  	_ =	shalt  }
0x63: {  	_ =	shalt  }
0x64: {  	_ =	shalt  }
0x65: {  	_ =	shalt  }
0x66: {  	_ =	shalt  }
0x67: {  	_ =	shalt  }
0x68: {  	_ =	shalt  }
0x69: {  	_ =	shalt  }
0x6a: {  	_ =	shalt  }
0x6b: {  	_ =	shalt  }
0x6c: {  	_ =	shalt  }
0x6d: {  	_ =	shalt  }
0x6e: {  	_ =	shalt  }
0x6f: {  	_ =	shalt  }
0x70: {  	_ =	shalt  }
0x71: {  	_ =	shalt  }
0x72: {  	_ =	shalt  }
0x73: {  	_ =	shalt  }
0x74: {  	_ =	shalt  }
0x75: {  	_ =	shalt  }
0x76: {  	_ =	shalt  }
0x77: {  	_ =	shalt  }
0x78: {  	_ =	shalt  }
0x79: {  	_ =	shalt  }
0x7a: {  	_ =	shalt  }
0x7b: {  	_ =	shalt  }
0x7c: {  	_ =	shalt  }
0x7d: {  	_ =	shalt  }
0x7e: {  	_ =	shalt  }
0x7f: {  	_ =	shalt  }
0x80: {  	_ =	shalt  }
0x81: {  	_ =	shalt  }
0x82: {  	_ =	shalt  }
0x83: {  	_ =	shalt  }
0x84: {  	_ =	shalt  }
0x85: {  	_ =	shalt  }
0x86: {  	_ =	shalt  }
0x87: {  	_ =	shalt  }
.Lfunc_end0:
.L_simem_size_0:
called_computation_lowered:
.L_overlay_start_0:
0x88: {  	s2 =	sld [smem:$0x3FD9]  }
0x89: {  	s3 =	sld [smem:$0x3FFE];
	_ =	sdelay $0x1  }
0x8a: {  	s1 =	srdreg.scid  }
0x8b: {  	s0 =	sand.u32 $0x1, s1  }
0x8c: {  	s17 =	sshll.u32 s0, $0xA;
	s2 =	sadd.s32 s3, s2  }
0x8d: {  	s2 =	sadd.s32 s2, s17  }
0x8e: {  	[smem:$0x3FBD] =	sst s2  }
0x8f: {  	_ = 	snop  }
0x90: {  	s2 =	sld [smem:$0x3FC6]  }
0x91: {  	s18 =	sld [smem:$0x3FD0];
	(tm) =	ssettm $0x1  }
0x92: {  	s4 =	sld [smem:$0x3FFB];
	_ =	sdelay $0x3  }
0x93: {  	_ =	strace s4  }
0x94: {  	s4 =	sld [smem:$0x3FFC];
	_ =	sdelay $0x3  }
0x95: {  	_ =	strace s4  }
0x96: {  	s4 =	sld [smem:$0x3FFD];
	_ =	sdelay $0x3  }
0x97: {  	_ =	strace s4  }
0x98: {  	_ =	strace $0x8FFFFFFF  }
0x99: {  	s19 =	sld [smem:$0x3FDB];
	_ =	sdelay $0x1  }
0x9a: {  	s5 =	simm.s32 $_scs_section_size  }
0x9b: {  	s6 =	simm.s32 $_size__tile_overlayer_lowered;
	s7 =	simm.s32 $_tile_overlayer_lowered  }
0x9c: {  	s22 =	simm.s32 $0x1BFF;
	s21 =	sshll.u32 s7, $0x1;
	s4 =	sadd.s32 s5, s19  }
0x9d: {  	s8 =	simm.s32 $0x0;
	s20 =	sshll.u32 s6, $0x1;
	s6 =	sadd.s32 s21, s4  }
0x9e: {  	[timem:s8], [sflag:s22] =	dma.local [hbm:s6], s20  }
0x9f: {  	_ =	swait.ge [sflag:s22], s20  }
0xa0: {  	s5 =	ssub.s32 $0x0, s20;
	[sflag:s22] =	ssyncset.done $0x0  }
0xa1: {  	[sflag:s22] =	ssyncadd.s32 s5;
	_ =	sdelay $0x1  }
0xa2: {  	s23 =	simm.s32 $0x1B8B  }
0xa3: {  	_ =	swait.ge [sflag:s23], $0x1  }
0xa4: {  	[sflag:s23] =	ssyncset.done $0x0  }
0xa5: {  	s25 =	simm.s32 $0x1B8E;
	s24 =	sld [smem:$0x3FFE];
	[sflag:s23] =	ssyncadd.s32 $0xFFFFFFFF  }
0xa6: {  	s26 =	simm.s32 $execute0_lowered;
	[smem:$0x3FD2] =	sst s25  }
0xa7: {  	s6 =	sshll.u32 s26, $0x1;
	_ =	strace $0x80000046;
	[dreg:$0x1] =	wrdreg $0xFFFFFFFF  }
0xa8: {  	s28 =	simm.s32 $_size_execute0_lowered;
	s4 =	sadd.s32 s4, s6;
	[dreg:$0x0] =	wrdreg $0x0  }
0xa9: {  	s6 =	sshll.u32 s28, $0x1;
	[dreg:$0x2] =	wrdreg s4  }
0xaa: {  	[dreg:$0x3] =	wrdreg s6  }
0xab: {  	[dreg:$0x4] =	wrdreg $0xC0  }
0xac: {  	_ =	task [dreg:s8], $0x5FFFF  }
0xad: {  	[dreg:$0x1] =	wrdreg $0xFFFFFFFF  }
0xae: {  	[dreg:$0x0] =	wrdreg $0x60  }
0xaf: {  	[dreg:$0x2] =	wrdreg s24  }
0xb0: {  	[dreg:$0x3] =	wrdreg s2  }
0xb1: {  	[dreg:$0x4] =	wrdreg s18  }
0xb2: {  	[dreg:$0x5] =	wrdreg $0x9  }
0xb3: {  	_ =	task.clear_ibuf [dreg:s8], $0x6FFFF;
	_ =	strace $0x90000046  }
0xb4: {  	s29 =	simm.s32 $0x9;
	_ =	strace $0x80000048  }
0xb5: {  	_ =	swait.ge [sflag:s29], $0x1  }
0xb6: {  	[sflag:s29] =	ssyncadd.s32 $0xFFFFFFFF  }
0xb7: {  	_ =	strace $0x90000048  }
0xb8: {  	_ =	sfence  }
0xb9: {  	s30 =	sld [smem:$0x0];
	_ =	sdelay $0x2  }
0xba: {  	s31 =	sshll.u32 s1, $0xD;
	s1 =	sshrl.u32 s1, $0x2  }
0xbb: {  	s3 =	sand.u32 $0x4000, s31;
	s1 =	sadd.s32 s1, s30  }
0xbc: {  	s0 =	sor.u32 s3, s0;
	s1 =	sshll.u32 s1, $0x11  }
0xbd: {  	s0 =	sor.u32 s1, s0  }
0xbe: {  	s0 =	sadd.s32 $0x8F2B, s0  }
0xbf: {  	[sflag:s0] =	ssyncadd.remote.s32 $0x1  }
0xc0: {  	_ =	sfence.sel $0xFFFF  }
0xc1: {  	[dreg:$0x0] =	wrdreg $0xFFFFFFFF;
	(pc) =	sbr.abs _section_cstart, $3  }
0xc2: {  	[dreg:$0x1] =	wrdreg $0xFFFFFFFF  }
0xc3: {  	_ =	task.clear_ibuf [dreg:s8], $0x2FFFF;
	_ =	strace $0x9FFFFFFF  }
0xc4: {  	(tm) =	ssettm $0x7FFFFFFF  }
0xc5: {  	_ =	shalt  }
tec
execute0_lowered:
.L_overlay_start_1:
0x0: {  	(tag) =	ssettag $0x1  }
0x1: {  	s8 =	rddreg [dreg:$0x0]  }
0x2: {  	s1 =	rddreg [dreg:$0x1]  }
0x3: {  	s2 =	rddreg [dreg:$0x2]  }
0x4: {  	s0 =	rddreg [dreg:$0x3];
	s3 =	simm.s32 $0x0;
	s4 =	srdreg.scid  }
0x5: {  	s12 =	simm.s32 $0x2000;
	s13 =	simm.s32 $0x400;
	s14 =	simm.s32 $0x2800  }
0x6: {  	s15 =	simm.s32 $0x2400;
	s16 =	simm.s32 $0x6800;
	s17 =	simm.s32 $0x1  }
0x7: {  	s18 =	simm.s32 $0x2;
	s19 =	simm.s32 $0x0;
	[smem:$0x7FF] =	sst s3  }
0x8: {  	s9 =	sand.u32 $0x1, s4;
	s5 =	sadd.s32 $0x1A00, s8;
	s6 =	sadd.s32 $0x9A00, s8  }
0x9: {  	s7 =	sadd.s32 $0xDA00, s8;
	s4 =	stileid.u32;
	s10 =	ssub.s32 $0x2, s9  }
0xa: {  	s8 =	sadd.s32 $0x8DA00, s8;
	_ =	strace $0x80000047;
	s11 =	sshrl.u32 s10, $0x1  }
0xb: {  	s31 =	sshll.u32 s4, $0xE;
	s9 =	sshll.u32 s9, $0xD;
	s10 =	ssub.s32 s10, s11  }
0xc: {  	s9 =	sor.u32 s9, s31;
	s11 =	simm.s32 $0x3;
	s10 =	smax.u32 s10, $0x1  }
.LBB2_1:
0xd: {  	[tilespmem:s3], [sflag:$0x3] =	stream.linear.gather [hbm4b:s1+s3], $0x2000, $0x38;
	[tilespmem:$0xA800] =	vst v63  }
0xe: {  	_ =	swait.ge [sflag:s11], $0x2000  }
0xf: {  	[sflag:s11] =	ssyncset.done $0x0  }
0x10: {  	s20 =	smov.u32 s9;
	s21 =	simm.s32 $0x0;
	[sflag:s11] =	ssyncadd.s32 $0xFFFFE000  }
.LBB2_2:
0x11: {  	s22 =	sshll.u32 s21, $0xA  }
0x12: {  	s22 =	sadd.s32 s9, s22  }
0x13: {  	s23 =	sshrl.u32 s22, $0x3  }
0x14: {  	s24 =	simm.s32 $0x0;
	s23 =	sadd.s32 s5, s23  }
0x15: {  	[tilespmem:s12], [sflag:$0x3] =	stream.linear.gather [hbm4b:s23+s24], $0x400, $0x38;
	[tilespmem:$0xA800] =	vst v63  }
0x16: {  	_ =	swait.ge [sflag:s11], $0x400  }
0x17: {  	[sflag:s11] =	ssyncset.done $0x0  }
0x18: {  	s23 =	simm.s32 $0x0;
	[sflag:s11] =	ssyncadd.s32 $0xFFFFFC00  }
0x19: {  	v0 =	vld [tilespmem:s23+$0x2000];
	_ =	sdelay $0x2  }
0x1a: {  	v1 =	vmov s20  }
0x1b: {  	v1 =	vshrl.u32 v1, $0x5  }
0x1c: {  	v1 =	vbroadcast v1, $0x0;
	vm0 =	vgt.s32 v0, $0x0  }
0x1d: {  	v0 =	vnsel vm0, $0x0, v0  }
0x1e: {  	v0 =	vmin.u32 v0, $0x1FFF;
	_ =	sdelay $0x1  }
0x1f: {  	v2 =	vshll.u32 v0, $0x3  }
0x20: {  	v3 =	vshrl.u32 v0, $0xA;
	v2 =	vand.u32 $0x1FF8, v2  }
0x21: {  	v1 =	vld.idx.msk [tilespmem:v1+s3+$0x0], $0xffff;
	v2 =	vor.u32 v3, v2  }
0x22: {  	s24 =	simm.s32 $0x10;
	v0 =	vld.idx.msk [tilespmem:v0+s3+$0x0], $0xffff;
	[tilespmem:s23+$0x2000] =	vst v2  }
0x23: {  	v2 =	vld [tilespmem:s24+$0x2000];
	_ =	sdelay $0x1  }
0x24: {  	s25 =	sadd.s32 $0x10, s20  }
0x25: {  	v3 =	vmov s25  }
0x26: {  	v1 =	vshll.u32 v1, $0x9;
	v3 =	vshrl.u32 v3, $0x5  }
0x27: {  	v1 =	vadd.s32 v0, v1;
	v0 =	vbroadcast v3, $0x0;
	vm15 =	vgt.s32 v2, $0x0  }
0x28: {  	v4 =	vand.u32 $0xFFFFE000, v1;
	v3 =	vshll.u32 v1, $0x3;
	v2 =	vnsel vm15, $0x0, v2  }
0x29: {  	v5 =	vshrl.u32 v1, $0xA;
	v6 =	vand.u32 $0x1FF8, v3;
	v1 =	vmin.u32 v2, $0x1FFF  }
0x2a: {  	s26 =	simm.s32 $0x80;
	v3 =	vand.u32 $0x7, v5;
	v4 =	vor.u32 v4, v6;
	v2 =	vshll.u32 v1, $0x3  }
.LBB2_3:
0x2b: {  	p0 =	sne.s32 s26, $0xFC0;
	v3 =	vor.u32 v3, v4;
	s28 =	smov.u32 s26;
	s26 =	sadd.s32 $0x40, s26  }
0x2c: {  	[tilespmem:s23+$0x2400] =	vst v3;
	s23 =	smov.u32 s24  }
0x2d: {  	v2 =	vand.u32 $0x1FF8, v2;
	v3 =	vshrl.u32 v1, $0xA;
	v0 =	vld.idx.msk [tilespmem:v0+s3+$0x0], $0xffff  }
0x2e: {  	v2 =	vor.u32 v3, v2;
	v1 =	vld.idx.msk [tilespmem:v1+s3+$0x0], $0xffff  }
0x2f: {  	s24 =	sshra.s32 s28, $0x2;
	[tilespmem:s23+$0x2000] =	vst v2  }
0x30: {  	v2 =	vld [tilespmem:s24+$0x2000];
	_ =	sdelay $0x1  }
0x31: {  	s25 =	sadd.s32 $0x10, s25  }
0x32: {  	v3 =	vmov s25;
	v0 =	vshll.u32 v0, $0x9  }
.Ltmp0:
0x33: {  	v3 =	vshrl.u32 v3, $0x5;
	v1 =	vadd.s32 v1, v0;
	(pc) =	sbr.rel @p0 .LBB2_3-.Ltmp0, $4  }
0x34: {  	v0 =	vbroadcast v3, $0x0;
	v4 =	vand.u32 $0xFFFFE000, v1;
	vm0 =	vgt.s32 v2, $0x0  }
0x35: {  	v3 =	vshll.u32 v1, $0x3;
	v5 =	vshrl.u32 v1, $0xA;
	v2 =	vnsel vm0, $0x0, v2  }
0x36: {  	v6 =	vand.u32 $0x1FF8, v3;
	v3 =	vand.u32 $0x7, v5;
	v1 =	vmin.u32 v2, $0x1FFF  }
0x37: {  	v4 =	vor.u32 v4, v6;
	v2 =	vshll.u32 v1, $0x3  }
0x38: {  	_ =	sdelay $0x1  }
0x39: {  	v3 =	vor.u32 v3, v4  }
0x3a: {  	[tilespmem:s23+$0x2400] =	vst v3  }
0x3b: {  	v0 =	vld.idx.msk [tilespmem:v0+s3+$0x0], $0xffff  }
0x3c: {  	v3 =	vld.idx.msk [tilespmem:v1+s3+$0x0], $0xffff;
	_ =	sdelay $0x3  }
0x3d: {  	v0 =	vshll.u32 v0, $0x9  }
0x3e: {  	v0 =	vadd.s32 v3, v0  }
0x3f: {  	v2 =	vand.u32 $0x1FF8, v2;
	v61 =	vshrl.u32 v1, $0xA;
	v3 =	vshll.u32 v0, $0x3  }
0x40: {  	v62 =	vand.u32 $0xFFFFE000, v0;
	v0 =	vshrl.u32 v0, $0xA;
	v3 =	vand.u32 $0x1FF8, v3  }
0x41: {  	v1 =	vor.u32 v61, v2;
	v0 =	vand.u32 $0x7, v0;
	v63 =	vor.u32 v62, v3  }
0x42: {  	[tilespmem:s24+$0x2000] =	vst v1;
	v0 =	vor.u32 v0, v63  }
0x43: {  	[tilespmem:s24+$0x2400] =	vst v0  }
0x44: {  	[tilespmem:s14], [sflag:$0x1] =	stream.indirect.gather [hbm4b:s6+s13], $0x10, s12, s13, $0xb8;
	[tilespmem:$0xA800] =	vst v63  }
0x45: {  	_ = 	snop  }
0x46: {  	[tilespmem:s16], [sflag:$0x2] =	stream.indirect.gather [hbm4b:s2+s13], $0x10, s15, s13, $0xb8;
	[tilespmem:$0xA800] =	vst v63  }
0x47: {  	_ =	swait.ge [sflag:s17], $0x4000  }
0x48: {  	[sflag:s17] =	ssyncset.done $0x0  }
0x49: {  	[sflag:s17] =	ssyncadd.s32 $0xFFFFC000  }
0x4a: {  	_ =	swait.ge [sflag:s18], $0x4000  }
0x4b: {  	s22 =	sshll.u32 s22, $0x1;
	[sflag:s18] =	ssyncset.done $0x0  }
0x4c: {  	s31 =	sadd.s32 s7, s22;
	[sflag:s18] =	ssyncadd.s32 $0xFFFFC000  }
0x4d: {  	[hbm4b:s31+s3] =	stream.linear.scatter [tilespmem:s14], [sflag:$0x3], $0x4000, $0x38;
	[tilespmem:$0xA800] =	vst v63  }
0x4e: {  	s21 =	sadd.s32 $0x1, s21;
	_ =	swait.ge [sflag:s11], $0x4000  }
0x4f: {  	p0 =	sne.s32 s21, $0x8;
	[sflag:s11] =	ssyncset.done $0x0  }
.Ltmp1:
0x50: {  	s22 =	sadd.s32 s8, s22;
	[sflag:s11] =	ssyncadd.s32 $0xFFFFC000;
	(pc) =	sbr.rel @p0 .LBB2_2-.Ltmp1, $4  }
0x51: {  	[hbm4b:s22+s3] =	stream.linear.scatter [tilespmem:s16], [sflag:$0x3], $0x4000, $0x38;
	[tilespmem:$0xA800] =	vst v63  }
0x52: {  	_ =	swait.ge [sflag:s11], $0x4000  }
0x53: {  	[sflag:s11] =	ssyncset.done $0x0  }
0x54: {  	s20 =	sadd.s32 $0x400, s20;
	[sflag:s11] =	ssyncadd.s32 $0xFFFFC000  }
0x55: {  	s19 =	sadd.s32 $0x1, s19  }
0x56: {  	p0 =	sne.s32 s19, s10  }
.Ltmp2:
0x57: {  	_ = 	snop;
	(pc) =	sbr.rel @p0 .LBB2_1-.Ltmp2, $1  }
0x58: {  	_ =	sdelay $0x3  }
0x59: {  	_ =	sfence.sel $0x180000  }
0x5a: {  	[bflag:$0x0] =	sbarrier.arrive $0xFFFF  }
0x5b: {  	p0 =	sne.s32 s4, $0x0;
	_ =	strace $0x90000047  }
0x5c: {  	s0 =	sadd.s32 @!p0 $0x100000, s0;
	[bflag:$0x2] =	sbarrier.arrive $0xFFFF  }
0x5d: {  	[sflag:s0] =	ssyncadd.tile.s32 @!p0 $0x1;
	_ =	shalt  }
.Lfunc_end2:
_tile_overlayer_lowered:
.L_overlay_start_2:
0x5e: {  	(tag) =	ssettag $0x2  }
0x5f: {  	s0 =	rddreg [dreg:$0x0];
	s2 =	stileid.u32  }
0x60: {  	s1 =	rddreg [dreg:$0x1];
	p0 =	sne.s32 s2, $0x0  }
0x61: {  	s3 =	rddreg [dreg:$0x2];
	[bflag:$0x3] =	sbarrier.arrive $0xFFFF;
	s2 =	simm.s32 @!p0 $0x1C03  }
0x62: {  	[timem:s3], [sflag:s2] =	dma.local @!p0 [hbm:s0], s1  }
0x63: {  	s0 =	simm.s32 @!p0 $0x3  }
0x64: {  	_ =	swait.ge @!p0 [sflag:s0], s1  }
0x65: {  	s1 =	ssub.s32 @!p0 $0x0, s1;
	[sflag:s0] =	ssyncset.done @!p0 $0x0  }
0x66: {  	[sflag:s0] =	ssyncadd.s32 @!p0 s1  }
0x67: {  	[bflag:$0x3] =	sbarrier.arrive $0xFFFF  }
0x68: {  	_ =	shalt  }

</sc_bundles>
